<compile_context>
chip_gen: v7x
topology: tpu7x:2x2x1
jax: 0.10.2.dev20260603
libtpu: 0.0.44.dev20260713+nightly
codegen_flags: <defaults>
</compile_context>

<pallas_src>
import functools

import jax
import jax.numpy as jnp
from jax import lax
from jax.experimental import pallas as pl
from jax.experimental.pallas import tpu as pltpu
from jax.experimental.pallas import tpu_sc as plsc

D = 128
CH = 128

_info = plsc.get_sparse_core_info()
NC = _info.num_cores
NS = _info.num_subcores
NW = NC * NS


def _make_gather(B: int):
    assert B % (NW * CH) == 0
    bpw = B // NW
    nchunk = bpw // CH
    assert nchunk % 2 == 0

    mesh = plsc.VectorSubcoreMesh(core_axis_name="c", subcore_axis_name="s")

    @functools.partial(
        pl.kernel,
        out_type=jax.ShapeDtypeStruct((B, D), jnp.float32),
        mesh=mesh,
        scratch_types=[
            pltpu.VMEM((nchunk, CH), jnp.int32),
            pltpu.VMEM((2, CH, D), jnp.float32),
            pltpu.VMEM_SHARED((NS, 2, CH, D), jnp.float32),
            pltpu.SemaphoreType.DMA((2,)),
            pltpu.SemaphoreType.DMA((2,)),
        ],
    )
    def gather_kernel(table_hbm, idx_hbm, out_hbm, idx_v, rows_v, sh_v, gsem, ssem):
        cid = lax.axis_index("c")
        sid = lax.axis_index("s")
        wid = sid * NC + cid
        base = wid * bpw
        pltpu.sync_copy(idx_hbm.at[wid], idx_v)

        def start_gather(c, b):
            pltpu.async_copy(table_hbm.at[idx_v.at[c]], rows_v.at[b], gsem.at[b])

        def wait_gather(c, b):
            pltpu.make_async_copy(
                table_hbm.at[idx_v.at[c]], rows_v.at[b], gsem.at[b]
            ).wait()

        def store_desc(c, b):
            return pltpu.make_async_copy(
                sh_v.at[sid, b], out_hbm.at[pl.ds(base + c * CH, CH)], ssem.at[b]
            )

        start_gather(0, 0)

        def pair_body(p, carry):
            for b in range(2):
                c = 2 * p + b

                @pl.when(c + 1 < nchunk)
                def _():
                    start_gather(c + 1, 1 - b)

                wait_gather(c, b)

                @pl.when(c >= 2)
                def _():
                    store_desc(c - 2, b).wait()

                pltpu.sync_copy(rows_v.at[b], sh_v.at[sid, b])
                store_desc(c, b).start()
            return carry

        lax.fori_loop(0, nchunk // 2, pair_body, 0)

        for c in (nchunk - 2, nchunk - 1):
            store_desc(c, c % 2).wait()

    return gather_kernel


def kernel(token_ids, weight):
    R, S = token_ids.shape
    B = token_ids.size
    idx = token_ids.T.astype(jnp.int32).reshape(NW, B // (NW * CH), CH)
    out = _make_gather(B)(weight, idx)
    return jnp.transpose(out.reshape(S, R, D), (1, 0, 2))

# --- scband reference (transcript-rebuilt; emitter-appended) ---
"""Pipeline reference for scband-embedding-55688545960716 (READ-ONLY COPY).

The authoritative reference and input builder live on the scoring server;
editing this copy changes nothing except your own understanding.
"""

import jax, jax.numpy as jnp
import numpy as np

NUM_EMBEDDINGS = 100000
EMBEDDING_DIM = 128

def setup_inputs(seed: int = 0) -> dict:
    key = jax.random.key(seed)
    k1, k2 = jax.random.split(key)
    token_ids = jax.random.randint(k1, (4096, 50), 0, NUM_EMBEDDINGS, dtype=jnp.int64 if jax.config.jax_enable_x64 else jnp.int32)
    # trunc_normal_(mean=0, std=1, a=-3, b=3)
    weight = jax.random.truncated_normal(k2, -3.0, 3.0, (NUM_EMBEDDINGS, EMBEDDING_DIM), dtype=jnp.float32)
    return {"token_ids": token_ids, "weight": weight}

def reference(token_ids, weight):
    # Embedding lookup: weight[token_ids]
    return jnp.take(weight, token_ids, axis=0)

if __name__ == "__main__":
    import jax
    _d = setup_inputs()
    print(jax.jit(kernel)(*tuple(_d.values())))

</pallas_src>

<mosaic_0001>
#map = affine_map<(d0, d1) -> (0, 0)>
#map1 = affine_map<(d0, d1) -> (0, 0, 0)>
module attributes {stable_mosaic.version = 14 : i64} {
  func.func @gather_kernel(%arg0: i32, %arg1: i32, %arg2: memref<100000x128xf32, #tpu.memory_space<hbm>>, %arg3: memref<32x50x128xi32, #tpu.memory_space<hbm>>, %arg4: memref<204800x128xf32, #tpu.memory_space<hbm>>, %arg5: memref<50x128xi32, #tpu.memory_space<vmem>>, %arg6: memref<2x128x128xf32, #tpu.memory_space<vmem>>, %arg7: memref<16x2x128x128xf32, #tpu.memory_space<vmem_shared>>, %arg8: memref<2x!tpu.dma_semaphore, #tpu.memory_space<semaphore_mem>>, %arg9: memref<2x!tpu.dma_semaphore, #tpu.memory_space<semaphore_mem>>) attributes {dimension_semantics = [#tpu.dimension_semantics<core_parallel>, #tpu.dimension_semantics<subcore_parallel>], iteration_bounds = array<i64: 2, 16>, scalar_prefetch = 0 : i64, scratch_operands = 5 : i64, tpu.core_type = #tpu.core_type<sc_vector_subcore>, window_params = [{transform_indices = #map}, {transform_indices = #map1}, {transform_indices = #map}]} {
    %mul3A = arith.constant 2 : i32
    %mul3A_0 = arith.muli %arg1, %mul3A : i32
    %add3A = arith.addi %mul3A_0, %arg0 : i32
    %mul3A_1 = arith.constant 6400 : i32
    %mul3A_2 = arith.muli %add3A, %mul3A_1 : i32
    "tpu.region"() ({
      %run_scoped3A = tpu.sem_alloc : memref<!tpu.dma_semaphore, #tpu.memory_space<semaphore_mem>>
      %dma_start3A_45 = arith.constant 0 : i32
      %dma_start3A_46 = arith.constant 0 : i32
      %dma_start3A_47 = tpu.memref_slice %arg3[%add3A, %dma_start3A_45, %dma_start3A_46] : memref<32x50x128xi32, #tpu.memory_space<hbm>> -> memref<1x50x128xi32, #tpu.memory_space<hbm>>
      %dma_start3A_48 = tpu.memref_squeeze %dma_start3A_47 : memref<1x50x128xi32, #tpu.memory_space<hbm>> -> memref<50x128xi32, #tpu.memory_space<hbm>>
      %dma_start3A_49 = arith.constant 0 : i32
      %dma_start3A_50 = arith.constant 0 : i32
      %dma_start3A_51 = tpu.memref_slice %arg3[%add3A, %dma_start3A_49, %dma_start3A_50] : memref<32x50x128xi32, #tpu.memory_space<hbm>> -> memref<1x50x128xi32, #tpu.memory_space<hbm>>
      %dma_start3A_52 = tpu.memref_squeeze %dma_start3A_51 : memref<1x50x128xi32, #tpu.memory_space<hbm>> -> memref<50x128xi32, #tpu.memory_space<hbm>>
      tpu.enqueue_dma source(%dma_start3A_52 : memref<50x128xi32, #tpu.memory_space<hbm>>) target(%arg5 : memref<50x128xi32, #tpu.memory_space<vmem>>) target_semaphore(%run_scoped3A : memref<!tpu.dma_semaphore, #tpu.memory_space<semaphore_mem>>)
      %dma_wait3A_53 = arith.constant 0 : i32
      %dma_wait3A_54 = arith.constant 0 : i32
      %dma_wait3A_55 = tpu.memref_slice %arg3[%add3A, %dma_wait3A_53, %dma_wait3A_54] : memref<32x50x128xi32, #tpu.memory_space<hbm>> -> memref<1x50x128xi32, #tpu.memory_space<hbm>>
      %dma_wait3A_56 = tpu.memref_squeeze %dma_wait3A_55 : memref<1x50x128xi32, #tpu.memory_space<hbm>> -> memref<50x128xi32, #tpu.memory_space<hbm>>
      %dma_wait3A_57 = arith.constant 0 : i32
      %dma_wait3A_58 = arith.constant 0 : i32
      %dma_wait3A_59 = tpu.memref_slice %arg3[%add3A, %dma_wait3A_57, %dma_wait3A_58] : memref<32x50x128xi32, #tpu.memory_space<hbm>> -> memref<1x50x128xi32, #tpu.memory_space<hbm>>
      %dma_wait3A_60 = tpu.memref_squeeze %dma_wait3A_59 : memref<1x50x128xi32, #tpu.memory_space<hbm>> -> memref<50x128xi32, #tpu.memory_space<hbm>>
      tpu.wait_dma2 semaphore(%run_scoped3A : memref<!tpu.dma_semaphore, #tpu.memory_space<semaphore_mem>>) src(%dma_wait3A_60 : memref<50x128xi32, #tpu.memory_space<hbm>>) dst(%arg5 : memref<50x128xi32, #tpu.memory_space<vmem>>)
      tpu.yield
    }) : () -> ()
    %dma_start3A = arith.constant 0 : i32
    %dma_start3A_3 = arith.constant 0 : i32
    %dma_start3A_4 = arith.constant 0 : i32
    %dma_start3A_5 = arith.constant 0 : i32
    %dma_start3A_6 = arith.constant 0 : i32
    %dma_start3A_7 = tpu.memref_slice %arg6[%dma_start3A_3, %dma_start3A_5, %dma_start3A_6] : memref<2x128x128xf32, #tpu.memory_space<vmem>> -> memref<1x128x128xf32, #tpu.memory_space<vmem>>
    %dma_start3A_8 = tpu.memref_squeeze %dma_start3A_7 : memref<1x128x128xf32, #tpu.memory_space<vmem>> -> memref<128x128xf32, #tpu.memory_space<vmem>>
    %dma_start3A_9 = arith.constant 0 : i32
    %dma_start3A_10 = tpu.memref_slice %arg5[%dma_start3A, %dma_start3A_9] : memref<50x128xi32, #tpu.memory_space<vmem>> -> memref<1x128xi32, #tpu.memory_space<vmem>>
    %dma_start3A_11 = tpu.memref_squeeze %dma_start3A_10 : memref<1x128xi32, #tpu.memory_space<vmem>> -> memref<128xi32, #tpu.memory_space<vmem>>
    %dma_start3A_12 = arith.constant 0 : i32
    %dma_start3A_13 = arith.constant 0 : i32
    %dma_start3A_14 = tpu.memref_slice %arg2[%dma_start3A_12, %dma_start3A_13] : memref<100000x128xf32, #tpu.memory_space<hbm>> -> memref<100000x128xf32, #tpu.memory_space<hbm>>
    %dma_start3A_15 = tpu.memref_slice %arg8[%dma_start3A_4] : memref<2x!tpu.dma_semaphore, #tpu.memory_space<semaphore_mem>> -> memref<1x!tpu.dma_semaphore, #tpu.memory_space<semaphore_mem>>
    %dma_start3A_16 = tpu.memref_squeeze %dma_start3A_15 : memref<1x!tpu.dma_semaphore, #tpu.memory_space<semaphore_mem>> -> memref<!tpu.dma_semaphore, #tpu.memory_space<semaphore_mem>>
    tpu.enqueue_indirect_dma source(%dma_start3A_14 : memref<100000x128xf32, #tpu.memory_space<hbm>>) target(%dma_start3A_8 : memref<128x128xf32, #tpu.memory_space<vmem>>) offsets(%dma_start3A_11 : memref<128xi32, #tpu.memory_space<vmem>>) semaphore(%dma_start3A_16 : memref<!tpu.dma_semaphore, #tpu.memory_space<semaphore_mem>>)
    %scan3A = arith.constant 0 : i32
    %scan3A_17 = arith.constant 0 : i32
    %scan3A_18 = arith.constant 25 : i32
    %scan3A_19 = arith.addi %scan3A_17, %scan3A_18 : i32
    %scan3A_20 = arith.constant 1 : i32
    scf.for %scan3A_45 = %scan3A_17 to %scan3A_19 step %scan3A_20  : i32 {
      %mul3A_46 = arith.constant 2 : i32
      %mul3A_47 = arith.muli %mul3A_46, %scan3A_45 : i32
      %add3A_48 = arith.constant 0 : i32
      %add3A_49 = arith.addi %mul3A_47, %add3A_48 : i32
      %add3A_50 = arith.constant 1 : i32
      %add3A_51 = arith.addi %add3A_49, %add3A_50 : i32
      %lt3A = arith.constant 50 : i32
      %lt3A_52 = arith.cmpi slt, %add3A_51, %lt3A : i32
      %convert_element_type3A = arith.extui %lt3A_52 : i1 to i32
      %cond3A = arith.constant 0 : i32
      %cond3A_53 = arith.cmpi ne, %convert_element_type3A, %cond3A : i32
      scf.if %cond3A_53 {
        %add3A_131 = arith.constant 1 : i32
        %add3A_132 = arith.addi %add3A_49, %add3A_131 : i32
        %dma_start3A_133 = arith.constant 1 : i32
        %dma_start3A_134 = arith.constant 1 : i32
        %dma_start3A_135 = arith.constant 0 : i32
        %dma_start3A_136 = arith.constant 0 : i32
        %dma_start3A_137 = tpu.memref_slice %arg6[%dma_start3A_133, %dma_start3A_135, %dma_start3A_136] : memref<2x128x128xf32, #tpu.memory_space<vmem>> -> memref<1x128x128xf32, #tpu.memory_space<vmem>>
        %dma_start3A_138 = tpu.memref_squeeze %dma_start3A_137 : memref<1x128x128xf32, #tpu.memory_space<vmem>> -> memref<128x128xf32, #tpu.memory_space<vmem>>
        %dma_start3A_139 = arith.constant 0 : i32
        %dma_start3A_140 = tpu.memref_slice %arg5[%add3A_132, %dma_start3A_139] : memref<50x128xi32, #tpu.memory_space<vmem>> -> memref<1x128xi32, #tpu.memory_space<vmem>>
        %dma_start3A_141 = tpu.memref_squeeze %dma_start3A_140 : memref<1x128xi32, #tpu.memory_space<vmem>> -> memref<128xi32, #tpu.memory_space<vmem>>
        %dma_start3A_142 = arith.constant 0 : i32
        %dma_start3A_143 = arith.constant 0 : i32
        %dma_start3A_144 = tpu.memref_slice %arg2[%dma_start3A_142, %dma_start3A_143] : memref<100000x128xf32, #tpu.memory_space<hbm>> -> memref<100000x128xf32, #tpu.memory_space<hbm>>
        %dma_start3A_145 = tpu.memref_slice %arg8[%dma_start3A_134] : memref<2x!tpu.dma_semaphore, #tpu.memory_space<semaphore_mem>> -> memref<1x!tpu.dma_semaphore, #tpu.memory_space<semaphore_mem>>
        %dma_start3A_146 = tpu.memref_squeeze %dma_start3A_145 : memref<1x!tpu.dma_semaphore, #tpu.memory_space<semaphore_mem>> -> memref<!tpu.dma_semaphore, #tpu.memory_space<semaphore_mem>>
        tpu.enqueue_indirect_dma source(%dma_start3A_144 : memref<100000x128xf32, #tpu.memory_space<hbm>>) target(%dma_start3A_138 : memref<128x128xf32, #tpu.memory_space<vmem>>) offsets(%dma_start3A_141 : memref<128xi32, #tpu.memory_space<vmem>>) semaphore(%dma_start3A_146 : memref<!tpu.dma_semaphore, #tpu.memory_space<semaphore_mem>>)
      } else {
      }
      %dma_wait3A_54 = arith.constant 0 : i32
      %dma_wait3A_55 = arith.constant 0 : i32
      %dma_wait3A_56 = arith.constant 0 : i32
      %dma_wait3A_57 = arith.constant 0 : i32
      %dma_wait3A_58 = tpu.memref_slice %arg6[%dma_wait3A_54, %dma_wait3A_56, %dma_wait3A_57] : memref<2x128x128xf32, #tpu.memory_space<vmem>> -> memref<1x128x128xf32, #tpu.memory_space<vmem>>
      %dma_wait3A_59 = tpu.memref_squeeze %dma_wait3A_58 : memref<1x128x128xf32, #tpu.memory_space<vmem>> -> memref<128x128xf32, #tpu.memory_space<vmem>>
      %dma_wait3A_60 = arith.constant 0 : i32
      %dma_wait3A_61 = tpu.memref_slice %arg5[%add3A_49, %dma_wait3A_60] : memref<50x128xi32, #tpu.memory_space<vmem>> -> memref<1x128xi32, #tpu.memory_space<vmem>>
      %dma_wait3A_62 = tpu.memref_squeeze %dma_wait3A_61 : memref<1x128xi32, #tpu.memory_space<vmem>> -> memref<128xi32, #tpu.memory_space<vmem>>
      %dma_wait3A_63 = arith.constant 0 : i32
      %dma_wait3A_64 = arith.constant 0 : i32
      %dma_wait3A_65 = tpu.memref_slice %arg2[%dma_wait3A_63, %dma_wait3A_64] : memref<100000x128xf32, #tpu.memory_space<hbm>> -> memref<100000x128xf32, #tpu.memory_space<hbm>>
      %dma_wait3A_66 = tpu.memref_slice %arg8[%dma_wait3A_55] : memref<2x!tpu.dma_semaphore, #tpu.memory_space<semaphore_mem>> -> memref<1x!tpu.dma_semaphore, #tpu.memory_space<semaphore_mem>>
      %dma_wait3A_67 = tpu.memref_squeeze %dma_wait3A_66 : memref<1x!tpu.dma_semaphore, #tpu.memory_space<semaphore_mem>> -> memref<!tpu.dma_semaphore, #tpu.memory_space<semaphore_mem>>
      tpu.wait_indirect_dma semaphore(%dma_wait3A_67 : memref<!tpu.dma_semaphore, #tpu.memory_space<semaphore_mem>>) src(%dma_wait3A_65 : memref<100000x128xf32, #tpu.memory_space<hbm>>) dst(%dma_wait3A_59 : memref<128x128xf32, #tpu.memory_space<vmem>>)
      %ge3A = arith.constant 2 : i32
      %ge3A_68 = arith.cmpi sge, %add3A_49, %ge3A : i32
      %convert_element_type3A_69 = arith.extui %ge3A_68 : i1 to i32
      %cond3A_70 = arith.constant 0 : i32
      %cond3A_71 = arith.cmpi ne, %convert_element_type3A_69, %cond3A_70 : i32
      scf.if %cond3A_71 {
        %sub3A = arith.constant 2 : i32
        %sub3A_131 = arith.subi %add3A_49, %sub3A : i32
        %mul3A_132 = arith.constant 128 : i32
        %mul3A_133 = arith.muli %sub3A_131, %mul3A_132 : i32
        %add3A_134 = arith.addi %mul3A_2, %mul3A_133 : i32
        %dma_wait3A_135 = arith.constant 0 : i32
        %dma_wait3A_136 = arith.constant 0 : i32
        %dma_wait3A_137 = tpu.memref_slice %arg9[%dma_wait3A_136] : memref<2x!tpu.dma_semaphore, #tpu.memory_space<semaphore_mem>> -> memref<1x!tpu.dma_semaphore, #tpu.memory_space<semaphore_mem>>
        %dma_wait3A_138 = tpu.memref_squeeze %dma_wait3A_137 : memref<1x!tpu.dma_semaphore, #tpu.memory_space<semaphore_mem>> -> memref<!tpu.dma_semaphore, #tpu.memory_space<semaphore_mem>>
        %dma_wait3A_139 = arith.constant 0 : i32
        %dma_wait3A_140 = tpu.memref_slice %arg4[%add3A_134, %dma_wait3A_139] : memref<204800x128xf32, #tpu.memory_space<hbm>> -> memref<128x128xf32, #tpu.memory_space<hbm>>
        %dma_wait3A_141 = arith.constant 0 : i32
        %dma_wait3A_142 = arith.constant 0 : i32
        %dma_wait3A_143 = tpu.memref_slice %arg7[%arg1, %dma_wait3A_135, %dma_wait3A_141, %dma_wait3A_142] : memref<16x2x128x128xf32, #tpu.memory_space<vmem_shared>> -> memref<1x1x128x128xf32, #tpu.memory_space<vmem_shared>>
        %dma_wait3A_144 = tpu.memref_squeeze %dma_wait3A_143 : memref<1x1x128x128xf32, #tpu.memory_space<vmem_shared>> -> memref<128x128xf32, #tpu.memory_space<vmem_shared>>
        tpu.wait_dma2 semaphore(%dma_wait3A_138 : memref<!tpu.dma_semaphore, #tpu.memory_space<semaphore_mem>>) src(%dma_wait3A_144 : memref<128x128xf32, #tpu.memory_space<vmem_shared>>) dst(%dma_wait3A_140 : memref<128x128xf32, #tpu.memory_space<hbm>>)
      } else {
      }
      %run_scoped3A = arith.constant 0 : i32
      %run_scoped3A_72 = arith.constant 0 : i32
      "tpu.region"() ({
        %run_scoped3A_131 = tpu.sem_alloc : memref<!tpu.dma_semaphore, #tpu.memory_space<semaphore_mem>>
        %dma_start3A_132 = arith.constant 0 : i32
        %dma_start3A_133 = arith.constant 0 : i32
        %dma_start3A_134 = tpu.memref_slice %arg6[%run_scoped3A, %dma_start3A_132, %dma_start3A_133] : memref<2x128x128xf32, #tpu.memory_space<vmem>> -> memref<1x128x128xf32, #tpu.memory_space<vmem>>
        %dma_start3A_135 = tpu.memref_squeeze %dma_start3A_134 : memref<1x128x128xf32, #tpu.memory_space<vmem>> -> memref<128x128xf32, #tpu.memory_space<vmem>>
        %dma_start3A_136 = arith.constant 0 : i32
        %dma_start3A_137 = arith.constant 0 : i32
        %dma_start3A_138 = tpu.memref_slice %arg7[%arg1, %run_scoped3A_72, %dma_start3A_136, %dma_start3A_137] : memref<16x2x128x128xf32, #tpu.memory_space<vmem_shared>> -> memref<1x1x128x128xf32, #tpu.memory_space<vmem_shared>>
        %dma_start3A_139 = tpu.memref_squeeze %dma_start3A_138 : memref<1x1x128x128xf32, #tpu.memory_space<vmem_shared>> -> memref<128x128xf32, #tpu.memory_space<vmem_shared>>
        %dma_start3A_140 = arith.constant 0 : i32
        %dma_start3A_141 = arith.constant 0 : i32
        %dma_start3A_142 = tpu.memref_slice %arg7[%arg1, %run_scoped3A_72, %dma_start3A_140, %dma_start3A_141] : memref<16x2x128x128xf32, #tpu.memory_space<vmem_shared>> -> memref<1x1x128x128xf32, #tpu.memory_space<vmem_shared>>
        %dma_start3A_143 = tpu.memref_squeeze %dma_start3A_142 : memref<1x1x128x128xf32, #tpu.memory_space<vmem_shared>> -> memref<128x128xf32, #tpu.memory_space<vmem_shared>>
        %dma_start3A_144 = arith.constant 0 : i32
        %dma_start3A_145 = arith.constant 0 : i32
        %dma_start3A_146 = tpu.memref_slice %arg6[%run_scoped3A, %dma_start3A_144, %dma_start3A_145] : memref<2x128x128xf32, #tpu.memory_space<vmem>> -> memref<1x128x128xf32, #tpu.memory_space<vmem>>
        %dma_start3A_147 = tpu.memref_squeeze %dma_start3A_146 : memref<1x128x128xf32, #tpu.memory_space<vmem>> -> memref<128x128xf32, #tpu.memory_space<vmem>>
        tpu.enqueue_dma source(%dma_start3A_147 : memref<128x128xf32, #tpu.memory_space<vmem>>) target(%dma_start3A_143 : memref<128x128xf32, #tpu.memory_space<vmem_shared>>) target_semaphore(%run_scoped3A_131 : memref<!tpu.dma_semaphore, #tpu.memory_space<semaphore_mem>>)
        %dma_wait3A_148 = arith.constant 0 : i32
        %dma_wait3A_149 = arith.constant 0 : i32
        %dma_wait3A_150 = tpu.memref_slice %arg6[%run_scoped3A, %dma_wait3A_148, %dma_wait3A_149] : memref<2x128x128xf32, #tpu.memory_space<vmem>> -> memref<1x128x128xf32, #tpu.memory_space<vmem>>
        %dma_wait3A_151 = tpu.memref_squeeze %dma_wait3A_150 : memref<1x128x128xf32, #tpu.memory_space<vmem>> -> memref<128x128xf32, #tpu.memory_space<vmem>>
        %dma_wait3A_152 = arith.constant 0 : i32
        %dma_wait3A_153 = arith.constant 0 : i32
        %dma_wait3A_154 = tpu.memref_slice %arg7[%arg1, %run_scoped3A_72, %dma_wait3A_152, %dma_wait3A_153] : memref<16x2x128x128xf32, #tpu.memory_space<vmem_shared>> -> memref<1x1x128x128xf32, #tpu.memory_space<vmem_shared>>
        %dma_wait3A_155 = tpu.memref_squeeze %dma_wait3A_154 : memref<1x1x128x128xf32, #tpu.memory_space<vmem_shared>> -> memref<128x128xf32, #tpu.memory_space<vmem_shared>>
        %dma_wait3A_156 = arith.constant 0 : i32
        %dma_wait3A_157 = arith.constant 0 : i32
        %dma_wait3A_158 = tpu.memref_slice %arg7[%arg1, %run_scoped3A_72, %dma_wait3A_156, %dma_wait3A_157] : memref<16x2x128x128xf32, #tpu.memory_space<vmem_shared>> -> memref<1x1x128x128xf32, #tpu.memory_space<vmem_shared>>
        %dma_wait3A_159 = tpu.memref_squeeze %dma_wait3A_158 : memref<1x1x128x128xf32, #tpu.memory_space<vmem_shared>> -> memref<128x128xf32, #tpu.memory_space<vmem_shared>>
        %dma_wait3A_160 = arith.constant 0 : i32
        %dma_wait3A_161 = arith.constant 0 : i32
        %dma_wait3A_162 = tpu.memref_slice %arg6[%run_scoped3A, %dma_wait3A_160, %dma_wait3A_161] : memref<2x128x128xf32, #tpu.memory_space<vmem>> -> memref<1x128x128xf32, #tpu.memory_space<vmem>>
        %dma_wait3A_163 = tpu.memref_squeeze %dma_wait3A_162 : memref<1x128x128xf32, #tpu.memory_space<vmem>> -> memref<128x128xf32, #tpu.memory_space<vmem>>
        tpu.wait_dma2 semaphore(%run_scoped3A_131 : memref<!tpu.dma_semaphore, #tpu.memory_space<semaphore_mem>>) src(%dma_wait3A_163 : memref<128x128xf32, #tpu.memory_space<vmem>>) dst(%dma_wait3A_159 : memref<128x128xf32, #tpu.memory_space<vmem_shared>>)
        tpu.yield
      }) : () -> ()
      %mul3A_73 = arith.constant 128 : i32
      %mul3A_74 = arith.muli %add3A_49, %mul3A_73 : i32
      %add3A_75 = arith.addi %mul3A_2, %mul3A_74 : i32
      %dma_start3A_76 = arith.constant 0 : i32
      %dma_start3A_77 = arith.constant 0 : i32
      %dma_start3A_78 = tpu.memref_slice %arg9[%dma_start3A_77] : memref<2x!tpu.dma_semaphore, #tpu.memory_space<semaphore_mem>> -> memref<1x!tpu.dma_semaphore, #tpu.memory_space<semaphore_mem>>
      %dma_start3A_79 = tpu.memref_squeeze %dma_start3A_78 : memref<1x!tpu.dma_semaphore, #tpu.memory_space<semaphore_mem>> -> memref<!tpu.dma_semaphore, #tpu.memory_space<semaphore_mem>>
      %dma_start3A_80 = arith.constant 0 : i32
      %dma_start3A_81 = tpu.memref_slice %arg4[%add3A_75, %dma_start3A_80] : memref<204800x128xf32, #tpu.memory_space<hbm>> -> memref<128x128xf32, #tpu.memory_space<hbm>>
      %dma_start3A_82 = arith.constant 0 : i32
      %dma_start3A_83 = arith.constant 0 : i32
      %dma_start3A_84 = tpu.memref_slice %arg7[%arg1, %dma_start3A_76, %dma_start3A_82, %dma_start3A_83] : memref<16x2x128x128xf32, #tpu.memory_space<vmem_shared>> -> memref<1x1x128x128xf32, #tpu.memory_space<vmem_shared>>
      %dma_start3A_85 = tpu.memref_squeeze %dma_start3A_84 : memref<1x1x128x128xf32, #tpu.memory_space<vmem_shared>> -> memref<128x128xf32, #tpu.memory_space<vmem_shared>>
      tpu.enqueue_dma source(%dma_start3A_85 : memref<128x128xf32, #tpu.memory_space<vmem_shared>>) target(%dma_start3A_81 : memref<128x128xf32, #tpu.memory_space<hbm>>) target_semaphore(%dma_start3A_79 : memref<!tpu.dma_semaphore, #tpu.memory_space<semaphore_mem>>)
      %mul3A_86 = arith.constant 2 : i32
      %mul3A_87 = arith.muli %mul3A_86, %scan3A_45 : i32
      %add3A_88 = arith.constant 1 : i32
      %add3A_89 = arith.addi %mul3A_87, %add3A_88 : i32
      %add3A_90 = arith.constant 1 : i32
      %add3A_91 = arith.addi %add3A_89, %add3A_90 : i32
      %lt3A_92 = arith.constant 50 : i32
      %lt3A_93 = arith.cmpi slt, %add3A_91, %lt3A_92 : i32
      %convert_element_type3A_94 = arith.extui %lt3A_93 : i1 to i32
      %cond3A_95 = arith.constant 0 : i32
      %cond3A_96 = arith.cmpi ne, %convert_element_type3A_94, %cond3A_95 : i32
      scf.if %cond3A_96 {
        %add3A_131 = arith.constant 1 : i32
        %add3A_132 = arith.addi %add3A_89, %add3A_131 : i32
        %dma_start3A_133 = arith.constant 0 : i32
        %dma_start3A_134 = arith.constant 0 : i32
        %dma_start3A_135 = arith.constant 0 : i32
        %dma_start3A_136 = arith.constant 0 : i32
        %dma_start3A_137 = tpu.memref_slice %arg6[%dma_start3A_133, %dma_start3A_135, %dma_start3A_136] : memref<2x128x128xf32, #tpu.memory_space<vmem>> -> memref<1x128x128xf32, #tpu.memory_space<vmem>>
        %dma_start3A_138 = tpu.memref_squeeze %dma_start3A_137 : memref<1x128x128xf32, #tpu.memory_space<vmem>> -> memref<128x128xf32, #tpu.memory_space<vmem>>
        %dma_start3A_139 = arith.constant 0 : i32
        %dma_start3A_140 = tpu.memref_slice %arg5[%add3A_132, %dma_start3A_139] : memref<50x128xi32, #tpu.memory_space<vmem>> -> memref<1x128xi32, #tpu.memory_space<vmem>>
        %dma_start3A_141 = tpu.memref_squeeze %dma_start3A_140 : memref<1x128xi32, #tpu.memory_space<vmem>> -> memref<128xi32, #tpu.memory_space<vmem>>
        %dma_start3A_142 = arith.constant 0 : i32
        %dma_start3A_143 = arith.constant 0 : i32
        %dma_start3A_144 = tpu.memref_slice %arg2[%dma_start3A_142, %dma_start3A_143] : memref<100000x128xf32, #tpu.memory_space<hbm>> -> memref<100000x128xf32, #tpu.memory_space<hbm>>
        %dma_start3A_145 = tpu.memref_slice %arg8[%dma_start3A_134] : memref<2x!tpu.dma_semaphore, #tpu.memory_space<semaphore_mem>> -> memref<1x!tpu.dma_semaphore, #tpu.memory_space<semaphore_mem>>
        %dma_start3A_146 = tpu.memref_squeeze %dma_start3A_145 : memref<1x!tpu.dma_semaphore, #tpu.memory_space<semaphore_mem>> -> memref<!tpu.dma_semaphore, #tpu.memory_space<semaphore_mem>>
        tpu.enqueue_indirect_dma source(%dma_start3A_144 : memref<100000x128xf32, #tpu.memory_space<hbm>>) target(%dma_start3A_138 : memref<128x128xf32, #tpu.memory_space<vmem>>) offsets(%dma_start3A_141 : memref<128xi32, #tpu.memory_space<vmem>>) semaphore(%dma_start3A_146 : memref<!tpu.dma_semaphore, #tpu.memory_space<semaphore_mem>>)
      } else {
      }
      %dma_wait3A_97 = arith.constant 1 : i32
      %dma_wait3A_98 = arith.constant 1 : i32
      %dma_wait3A_99 = arith.constant 0 : i32
      %dma_wait3A_100 = arith.constant 0 : i32
      %dma_wait3A_101 = tpu.memref_slice %arg6[%dma_wait3A_97, %dma_wait3A_99, %dma_wait3A_100] : memref<2x128x128xf32, #tpu.memory_space<vmem>> -> memref<1x128x128xf32, #tpu.memory_space<vmem>>
      %dma_wait3A_102 = tpu.memref_squeeze %dma_wait3A_101 : memref<1x128x128xf32, #tpu.memory_space<vmem>> -> memref<128x128xf32, #tpu.memory_space<vmem>>
      %dma_wait3A_103 = arith.constant 0 : i32
      %dma_wait3A_104 = tpu.memref_slice %arg5[%add3A_89, %dma_wait3A_103] : memref<50x128xi32, #tpu.memory_space<vmem>> -> memref<1x128xi32, #tpu.memory_space<vmem>>
      %dma_wait3A_105 = tpu.memref_squeeze %dma_wait3A_104 : memref<1x128xi32, #tpu.memory_space<vmem>> -> memref<128xi32, #tpu.memory_space<vmem>>
      %dma_wait3A_106 = arith.constant 0 : i32
      %dma_wait3A_107 = arith.constant 0 : i32
      %dma_wait3A_108 = tpu.memref_slice %arg2[%dma_wait3A_106, %dma_wait3A_107] : memref<100000x128xf32, #tpu.memory_space<hbm>> -> memref<100000x128xf32, #tpu.memory_space<hbm>>
      %dma_wait3A_109 = tpu.memref_slice %arg8[%dma_wait3A_98] : memref<2x!tpu.dma_semaphore, #tpu.memory_space<semaphore_mem>> -> memref<1x!tpu.dma_semaphore, #tpu.memory_space<semaphore_mem>>
      %dma_wait3A_110 = tpu.memref_squeeze %dma_wait3A_109 : memref<1x!tpu.dma_semaphore, #tpu.memory_space<semaphore_mem>> -> memref<!tpu.dma_semaphore, #tpu.memory_space<semaphore_mem>>
      tpu.wait_indirect_dma semaphore(%dma_wait3A_110 : memref<!tpu.dma_semaphore, #tpu.memory_space<semaphore_mem>>) src(%dma_wait3A_108 : memref<100000x128xf32, #tpu.memory_space<hbm>>) dst(%dma_wait3A_102 : memref<128x128xf32, #tpu.memory_space<vmem>>)
      %ge3A_111 = arith.constant 2 : i32
      %ge3A_112 = arith.cmpi sge, %add3A_89, %ge3A_111 : i32
      %convert_element_type3A_113 = arith.extui %ge3A_112 : i1 to i32
      %cond3A_114 = arith.constant 0 : i32
      %cond3A_115 = arith.cmpi ne, %convert_element_type3A_113, %cond3A_114 : i32
      scf.if %cond3A_115 {
        %sub3A = arith.constant 2 : i32
        %sub3A_131 = arith.subi %add3A_89, %sub3A : i32
        %mul3A_132 = arith.constant 128 : i32
        %mul3A_133 = arith.muli %sub3A_131, %mul3A_132 : i32
        %add3A_134 = arith.addi %mul3A_2, %mul3A_133 : i32
        %dma_wait3A_135 = arith.constant 1 : i32
        %dma_wait3A_136 = arith.constant 1 : i32
        %dma_wait3A_137 = tpu.memref_slice %arg9[%dma_wait3A_136] : memref<2x!tpu.dma_semaphore, #tpu.memory_space<semaphore_mem>> -> memref<1x!tpu.dma_semaphore, #tpu.memory_space<semaphore_mem>>
        %dma_wait3A_138 = tpu.memref_squeeze %dma_wait3A_137 : memref<1x!tpu.dma_semaphore, #tpu.memory_space<semaphore_mem>> -> memref<!tpu.dma_semaphore, #tpu.memory_space<semaphore_mem>>
        %dma_wait3A_139 = arith.constant 0 : i32
        %dma_wait3A_140 = tpu.memref_slice %arg4[%add3A_134, %dma_wait3A_139] : memref<204800x128xf32, #tpu.memory_space<hbm>> -> memref<128x128xf32, #tpu.memory_space<hbm>>
        %dma_wait3A_141 = arith.constant 0 : i32
        %dma_wait3A_142 = arith.constant 0 : i32
        %dma_wait3A_143 = tpu.memref_slice %arg7[%arg1, %dma_wait3A_135, %dma_wait3A_141, %dma_wait3A_142] : memref<16x2x128x128xf32, #tpu.memory_space<vmem_shared>> -> memref<1x1x128x128xf32, #tpu.memory_space<vmem_shared>>
        %dma_wait3A_144 = tpu.memref_squeeze %dma_wait3A_143 : memref<1x1x128x128xf32, #tpu.memory_space<vmem_shared>> -> memref<128x128xf32, #tpu.memory_space<vmem_shared>>
        tpu.wait_dma2 semaphore(%dma_wait3A_138 : memref<!tpu.dma_semaphore, #tpu.memory_space<semaphore_mem>>) src(%dma_wait3A_144 : memref<128x128xf32, #tpu.memory_space<vmem_shared>>) dst(%dma_wait3A_140 : memref<128x128xf32, #tpu.memory_space<hbm>>)
      } else {
      }
      %run_scoped3A_116 = arith.constant 1 : i32
      %run_scoped3A_117 = arith.constant 1 : i32
      "tpu.region"() ({
        %run_scoped3A_131 = tpu.sem_alloc : memref<!tpu.dma_semaphore, #tpu.memory_space<semaphore_mem>>
        %dma_start3A_132 = arith.constant 0 : i32
        %dma_start3A_133 = arith.constant 0 : i32
        %dma_start3A_134 = tpu.memref_slice %arg6[%run_scoped3A_116, %dma_start3A_132, %dma_start3A_133] : memref<2x128x128xf32, #tpu.memory_space<vmem>> -> memref<1x128x128xf32, #tpu.memory_space<vmem>>
        %dma_start3A_135 = tpu.memref_squeeze %dma_start3A_134 : memref<1x128x128xf32, #tpu.memory_space<vmem>> -> memref<128x128xf32, #tpu.memory_space<vmem>>
        %dma_start3A_136 = arith.constant 0 : i32
        %dma_start3A_137 = arith.constant 0 : i32
        %dma_start3A_138 = tpu.memref_slice %arg7[%arg1, %run_scoped3A_117, %dma_start3A_136, %dma_start3A_137] : memref<16x2x128x128xf32, #tpu.memory_space<vmem_shared>> -> memref<1x1x128x128xf32, #tpu.memory_space<vmem_shared>>
        %dma_start3A_139 = tpu.memref_squeeze %dma_start3A_138 : memref<1x1x128x128xf32, #tpu.memory_space<vmem_shared>> -> memref<128x128xf32, #tpu.memory_space<vmem_shared>>
        %dma_start3A_140 = arith.constant 0 : i32
        %dma_start3A_141 = arith.constant 0 : i32
        %dma_start3A_142 = tpu.memref_slice %arg7[%arg1, %run_scoped3A_117, %dma_start3A_140, %dma_start3A_141] : memref<16x2x128x128xf32, #tpu.memory_space<vmem_shared>> -> memref<1x1x128x128xf32, #tpu.memory_space<vmem_shared>>
        %dma_start3A_143 = tpu.memref_squeeze %dma_start3A_142 : memref<1x1x128x128xf32, #tpu.memory_space<vmem_shared>> -> memref<128x128xf32, #tpu.memory_space<vmem_shared>>
        %dma_start3A_144 = arith.constant 0 : i32
        %dma_start3A_145 = arith.constant 0 : i32
        %dma_start3A_146 = tpu.memref_slice %arg6[%run_scoped3A_116, %dma_start3A_144, %dma_start3A_145] : memref<2x128x128xf32, #tpu.memory_space<vmem>> -> memref<1x128x128xf32, #tpu.memory_space<vmem>>
        %dma_start3A_147 = tpu.memref_squeeze %dma_start3A_146 : memref<1x128x128xf32, #tpu.memory_space<vmem>> -> memref<128x128xf32, #tpu.memory_space<vmem>>
        tpu.enqueue_dma source(%dma_start3A_147 : memref<128x128xf32, #tpu.memory_space<vmem>>) target(%dma_start3A_143 : memref<128x128xf32, #tpu.memory_space<vmem_shared>>) target_semaphore(%run_scoped3A_131 : memref<!tpu.dma_semaphore, #tpu.memory_space<semaphore_mem>>)
        %dma_wait3A_148 = arith.constant 0 : i32
        %dma_wait3A_149 = arith.constant 0 : i32
        %dma_wait3A_150 = tpu.memref_slice %arg6[%run_scoped3A_116, %dma_wait3A_148, %dma_wait3A_149] : memref<2x128x128xf32, #tpu.memory_space<vmem>> -> memref<1x128x128xf32, #tpu.memory_space<vmem>>
        %dma_wait3A_151 = tpu.memref_squeeze %dma_wait3A_150 : memref<1x128x128xf32, #tpu.memory_space<vmem>> -> memref<128x128xf32, #tpu.memory_space<vmem>>
        %dma_wait3A_152 = arith.constant 0 : i32
        %dma_wait3A_153 = arith.constant 0 : i32
        %dma_wait3A_154 = tpu.memref_slice %arg7[%arg1, %run_scoped3A_117, %dma_wait3A_152, %dma_wait3A_153] : memref<16x2x128x128xf32, #tpu.memory_space<vmem_shared>> -> memref<1x1x128x128xf32, #tpu.memory_space<vmem_shared>>
        %dma_wait3A_155 = tpu.memref_squeeze %dma_wait3A_154 : memref<1x1x128x128xf32, #tpu.memory_space<vmem_shared>> -> memref<128x128xf32, #tpu.memory_space<vmem_shared>>
        %dma_wait3A_156 = arith.constant 0 : i32
        %dma_wait3A_157 = arith.constant 0 : i32
        %dma_wait3A_158 = tpu.memref_slice %arg7[%arg1, %run_scoped3A_117, %dma_wait3A_156, %dma_wait3A_157] : memref<16x2x128x128xf32, #tpu.memory_space<vmem_shared>> -> memref<1x1x128x128xf32, #tpu.memory_space<vmem_shared>>
        %dma_wait3A_159 = tpu.memref_squeeze %dma_wait3A_158 : memref<1x1x128x128xf32, #tpu.memory_space<vmem_shared>> -> memref<128x128xf32, #tpu.memory_space<vmem_shared>>
        %dma_wait3A_160 = arith.constant 0 : i32
        %dma_wait3A_161 = arith.constant 0 : i32
        %dma_wait3A_162 = tpu.memref_slice %arg6[%run_scoped3A_116, %dma_wait3A_160, %dma_wait3A_161] : memref<2x128x128xf32, #tpu.memory_space<vmem>> -> memref<1x128x128xf32, #tpu.memory_space<vmem>>
        %dma_wait3A_163 = tpu.memref_squeeze %dma_wait3A_162 : memref<1x128x128xf32, #tpu.memory_space<vmem>> -> memref<128x128xf32, #tpu.memory_space<vmem>>
        tpu.wait_dma2 semaphore(%run_scoped3A_131 : memref<!tpu.dma_semaphore, #tpu.memory_space<semaphore_mem>>) src(%dma_wait3A_163 : memref<128x128xf32, #tpu.memory_space<vmem>>) dst(%dma_wait3A_159 : memref<128x128xf32, #tpu.memory_space<vmem_shared>>)
        tpu.yield
      }) : () -> ()
      %mul3A_118 = arith.constant 128 : i32
      %mul3A_119 = arith.muli %add3A_89, %mul3A_118 : i32
      %add3A_120 = arith.addi %mul3A_2, %mul3A_119 : i32
      %dma_start3A_121 = arith.constant 1 : i32
      %dma_start3A_122 = arith.constant 1 : i32
      %dma_start3A_123 = tpu.memref_slice %arg9[%dma_start3A_122] : memref<2x!tpu.dma_semaphore, #tpu.memory_space<semaphore_mem>> -> memref<1x!tpu.dma_semaphore, #tpu.memory_space<semaphore_mem>>
      %dma_start3A_124 = tpu.memref_squeeze %dma_start3A_123 : memref<1x!tpu.dma_semaphore, #tpu.memory_space<semaphore_mem>> -> memref<!tpu.dma_semaphore, #tpu.memory_space<semaphore_mem>>
      %dma_start3A_125 = arith.constant 0 : i32
      %dma_start3A_126 = tpu.memref_slice %arg4[%add3A_120, %dma_start3A_125] : memref<204800x128xf32, #tpu.memory_space<hbm>> -> memref<128x128xf32, #tpu.memory_space<hbm>>
      %dma_start3A_127 = arith.constant 0 : i32
      %dma_start3A_128 = arith.constant 0 : i32
      %dma_start3A_129 = tpu.memref_slice %arg7[%arg1, %dma_start3A_121, %dma_start3A_127, %dma_start3A_128] : memref<16x2x128x128xf32, #tpu.memory_space<vmem_shared>> -> memref<1x1x128x128xf32, #tpu.memory_space<vmem_shared>>
      %dma_start3A_130 = tpu.memref_squeeze %dma_start3A_129 : memref<1x1x128x128xf32, #tpu.memory_space<vmem_shared>> -> memref<128x128xf32, #tpu.memory_space<vmem_shared>>
      tpu.enqueue_dma source(%dma_start3A_130 : memref<128x128xf32, #tpu.memory_space<vmem_shared>>) target(%dma_start3A_126 : memref<128x128xf32, #tpu.memory_space<hbm>>) target_semaphore(%dma_start3A_124 : memref<!tpu.dma_semaphore, #tpu.memory_space<semaphore_mem>>)
    }
    %scan3A_21 = arith.constant 25 : i32
    %add3A_22 = arith.constant 6144 : i32
    %add3A_23 = arith.addi %mul3A_2, %add3A_22 : i32
    %dma_wait3A = arith.constant 0 : i32
    %dma_wait3A_24 = arith.constant 0 : i32
    %dma_wait3A_25 = tpu.memref_slice %arg9[%dma_wait3A_24] : memref<2x!tpu.dma_semaphore, #tpu.memory_space<semaphore_mem>> -> memref<1x!tpu.dma_semaphore, #tpu.memory_space<semaphore_mem>>
    %dma_wait3A_26 = tpu.memref_squeeze %dma_wait3A_25 : memref<1x!tpu.dma_semaphore, #tpu.memory_space<semaphore_mem>> -> memref<!tpu.dma_semaphore, #tpu.memory_space<semaphore_mem>>
    %dma_wait3A_27 = arith.constant 0 : i32
    %dma_wait3A_28 = tpu.memref_slice %arg4[%add3A_23, %dma_wait3A_27] : memref<204800x128xf32, #tpu.memory_space<hbm>> -> memref<128x128xf32, #tpu.memory_space<hbm>>
    %dma_wait3A_29 = arith.constant 0 : i32
    %dma_wait3A_30 = arith.constant 0 : i32
    %dma_wait3A_31 = tpu.memref_slice %arg7[%arg1, %dma_wait3A, %dma_wait3A_29, %dma_wait3A_30] : memref<16x2x128x128xf32, #tpu.memory_space<vmem_shared>> -> memref<1x1x128x128xf32, #tpu.memory_space<vmem_shared>>
    %dma_wait3A_32 = tpu.memref_squeeze %dma_wait3A_31 : memref<1x1x128x128xf32, #tpu.memory_space<vmem_shared>> -> memref<128x128xf32, #tpu.memory_space<vmem_shared>>
    tpu.wait_dma2 semaphore(%dma_wait3A_26 : memref<!tpu.dma_semaphore, #tpu.memory_space<semaphore_mem>>) src(%dma_wait3A_32 : memref<128x128xf32, #tpu.memory_space<vmem_shared>>) dst(%dma_wait3A_28 : memref<128x128xf32, #tpu.memory_space<hbm>>)
    %add3A_33 = arith.constant 6272 : i32
    %add3A_34 = arith.addi %mul3A_2, %add3A_33 : i32
    %dma_wait3A_35 = arith.constant 1 : i32
    %dma_wait3A_36 = arith.constant 1 : i32
    %dma_wait3A_37 = tpu.memref_slice %arg9[%dma_wait3A_36] : memref<2x!tpu.dma_semaphore, #tpu.memory_space<semaphore_mem>> -> memref<1x!tpu.dma_semaphore, #tpu.memory_space<semaphore_mem>>
    %dma_wait3A_38 = tpu.memref_squeeze %dma_wait3A_37 : memref<1x!tpu.dma_semaphore, #tpu.memory_space<semaphore_mem>> -> memref<!tpu.dma_semaphore, #tpu.memory_space<semaphore_mem>>
    %dma_wait3A_39 = arith.constant 0 : i32
    %dma_wait3A_40 = tpu.memref_slice %arg4[%add3A_34, %dma_wait3A_39] : memref<204800x128xf32, #tpu.memory_space<hbm>> -> memref<128x128xf32, #tpu.memory_space<hbm>>
    %dma_wait3A_41 = arith.constant 0 : i32
    %dma_wait3A_42 = arith.constant 0 : i32
    %dma_wait3A_43 = tpu.memref_slice %arg7[%arg1, %dma_wait3A_35, %dma_wait3A_41, %dma_wait3A_42] : memref<16x2x128x128xf32, #tpu.memory_space<vmem_shared>> -> memref<1x1x128x128xf32, #tpu.memory_space<vmem_shared>>
    %dma_wait3A_44 = tpu.memref_squeeze %dma_wait3A_43 : memref<1x1x128x128xf32, #tpu.memory_space<vmem_shared>> -> memref<128x128xf32, #tpu.memory_space<vmem_shared>>
    tpu.wait_dma2 semaphore(%dma_wait3A_38 : memref<!tpu.dma_semaphore, #tpu.memory_space<semaphore_mem>>) src(%dma_wait3A_44 : memref<128x128xf32, #tpu.memory_space<vmem_shared>>) dst(%dma_wait3A_40 : memref<128x128xf32, #tpu.memory_space<hbm>>)
    return
  }
}

</mosaic_0001>

<sc_bundles>
// kernel: kernel.3.cloned.1.call-start
scs
__scs_entry_jumppad:
0x0: {  	(pc) =	sbr.rel $0x88, $3  }
0x1: {  	(tag) =	ssettag $0x0;
	lr =	simm.s32 $0x1  }
0x2: {  	[smem:$0x3F9F] =	sst lr;
	_ =	strace $0xD0000000  }
0x3: {  	_ = 	snop  }
0x4: {  	_ = 	snop  }
0x5: {  	_ = 	snop  }
0x6: {  	_ = 	snop  }
0x7: {  	_ = 	snop  }
__scs_overlays_trampoline_lowered:
0x8: {  	[smem:$0x3FAE] =	sst s0  }
0x9: {  	[smem:$0x3FAF] =	sst s1  }
0xa: {  	[smem:$0x3FB0] =	sst s2  }
0xb: {  	[smem:$0x3FB1] =	sst s3  }
0xc: {  	[smem:$0x3FB2] =	sst s4  }
0xd: {  	[smem:$0x3FB3] =	sst s5  }
0xe: {  	[smem:$0x3FB4] =	sst s6  }
0xf: {  	[smem:$0x3FB5] =	sst s7  }
0x10: {  	[smem:$0x3FB6] =	sst s8  }
0x11: {  	[smem:$0x3FB7] =	sst s9;
	s0 =	simm.s32 @!p0 $0x0  }
0x12: {  	s1 =	sld [smem:$0x3F9D];
	s0 =	simm.s32 @p0 $0x1  }
0x13: {  	[smem:$0x3FB8] =	sst s0;
	s0 =	simm.s32 @!p1 $0x0  }
0x14: {  	s2 =	sld [smem:$0x3F9C];
	s0 =	simm.s32 @p1 $0x1  }
0x15: {  	[smem:$0x3FB9] =	sst s0;
	s0 =	simm.s32 @!p2 $0x0  }
0x16: {  	s3 =	sld [smem:$0x3FDB];
	s0 =	simm.s32 @p2 $0x1  }
0x17: {  	s4 =	simm.s32 $0x1BF5;
	[smem:$0x3FBB] =	sst s0  }
0x18: {  	s0 =	sld [smem:$0x3F9E];
	_ =	swait.ge [sflag:s4], $0x0  }
0x19: {  	s7 =	sld [smem:$0x3F9F]  }
0x1a: {  	s8 =	sadd.s32 $0xFFFFE003, lr  }
0x1b: {  	s9 =	sadd.s32 $0xFFFFFEF7, lr;
	s5 =	simm.s32 $0xFFFFFFFF;
	p2 =	slt.u32 s8, $0xFFFFF086  }
0x1c: {  	p1 =	slt.u32 s9, $0xF7A;
	s5 =	simm.s32 @!p2 $0x0  }
0x1d: {  	s5 =	simm.s32 @p1 $0x1;
	p0 =	seq.s32 s7, s2  }
0x1e: {  	s7 =	smul.u32 @!p0 $0xF7A, s2;
	p2 =	seq.s32 @!p0 s5, $0x0  }
0x1f: {  	s9 =	smul.u32 $0xF7A, s1;
	s8 =	simm.s32 @!p0 $0x1BF5;
	p2 =	por !p2, p0  }
0x20: {  	[sflag:s8] =	ssyncset.s32 @!p0 $0xFFFFF086;
	s6 =	sadd.s32 @!p0 s3, s7;
	s7 =	simm.s32 @!p0 $0x108  }
0x21: {  	s3 =	sadd.s32 s3, s9;
	s6 =	sadd.s32 @!p0 $0x88, s6;
	s7 =	simm.s32 @p2 $0x1082  }
0x22: {  	[simem:s7], [sflag:s8] =	dma.local @!p0 [hbm:s6], $0xF7A  }
0x23: {  	s9 =	sor.u32 $0xD0000000, s2;
	s6 =	simm.s32 $0x108;
	_ =	swait.ge @!p0 [sflag:s8], $0x0  }
0x24: {  	s3 =	sadd.s32 $0x88, s3;
	s6 =	simm.s32 @!p1 $0x1082;
	[sflag:s4] =	ssyncset.s32 $0xFFFFF086  }
0x25: {  	[simem:s6], [sflag:s4] =	dma.local [hbm:s3], $0xF7A  }
0x26: {  	[smem:$0x3F9F] =	sst s1;
	(tag) =	ssettag s2;
	_ =	strace s9  }
0x27: {  	s1 =	sld [smem:$0x3FAF]  }
0x28: {  	s2 =	sld [smem:$0x3FB0]  }
0x29: {  	s4 =	sld [smem:$0x3FB2]  }
0x2a: {  	p0 =	seq.s32 s5, $0x0;
	s5 =	sld [smem:$0x3FB3]  }
0x2b: {  	s6 =	sld [smem:$0x3FB4]  }
0x2c: {  	s7 =	sld [smem:$0x3FB5]  }
0x2d: {  	s3 =	simm.s32 $0x108;
	s8 =	sld [smem:$0x3FB6]  }
0x2e: {  	s3 =	simm.s32 @!p0 $0x1082;
	s9 =	sld [smem:$0x3FB7]  }
0x2f: {  	lr =	sadd.s32 s0, s3;
	s0 =	sld [smem:$0x3FAE]  }
0x30: {  	s3 =	sld [smem:$0x3FB1]  }
0x31: {  	[smem:$0x3FBA] =	sst s10  }
0x32: {  	s10 =	sld [smem:$0x3FB8];
	_ =	sdelay $0x3  }
0x33: {  	p0 =	seq.s32 s10, $0x1;
	s10 =	sld [smem:$0x3FBA];
	_ =	sdelay $0x3  }
0x34: {  	[smem:$0x3FBA] =	sst s10  }
0x35: {  	s10 =	sld [smem:$0x3FB9];
	_ =	sdelay $0x3  }
0x36: {  	p1 =	seq.s32 s10, $0x1;
	s10 =	sld [smem:$0x3FBA];
	_ =	sdelay $0x3  }
0x37: {  	[smem:$0x3FBA] =	sst s10  }
0x38: {  	s10 =	sld [smem:$0x3FBB]  }
0x39: {  	_ = 	snop;
	(pc) =	sbr.ind lr, $3  }
0x3a: {  	_ = 	snop  }
0x3b: {  	_ = 	snop  }
0x3c: {  	p2 =	seq.s32 s10, $0x1;
	s10 =	sld [smem:$0x3FBA]  }
0x3d: {  	_ =	shalt  }
0x3e: {  	_ =	shalt  }
0x3f: {  	_ =	shalt  }
0x40: {  	_ =	shalt  }
0x41: {  	_ =	shalt  }
0x42: {  	_ =	shalt  }
0x43: {  	_ =	shalt  }
0x44: {  	_ =	shalt  }
0x45: {  	_ =	shalt  }
0x46: {  	_ =	shalt  }
0x47: {  	_ =	shalt  }
0x48: {  	_ =	shalt  }
0x49: {  	_ =	shalt  }
0x4a: {  	_ =	shalt  }
0x4b: {  	_ =	shalt  }
0x4c: {  	_ =	shalt  }
0x4d: {  	_ =	shalt  }
0x4e: {  	_ =	shalt  }
0x4f: {  	_ =	shalt  }
0x50: {  	_ =	shalt  }
0x51: {  	_ =	shalt  }
0x52: {  	_ =	shalt  }
0x53: {  	_ =	shalt  }
0x54: {  	_ =	shalt  }
0x55: {  	_ =	shalt  }
0x56: {  	_ =	shalt  }
0x57: {  	_ =	shalt  }
0x58: {  	_ =	shalt  }
0x59: {  	_ =	shalt  }
0x5a: {  	_ =	shalt  }
0x5b: {  	_ =	shalt  }
0x5c: {  	_ =	shalt  }
0x5d: {  	_ =	shalt  }
0x5e: {  	_ =	shalt  }
0x5f: {  	_ =	shalt  }
0x60: {  	_ =	shalt  }
0x61: {  	_ =	shalt  }
0x62: {  	_ =	shalt  }
0x63: {  	_ =	shalt  }
0x64: {  	_ =	shalt  }
0x65: {  	_ =	shalt  }
0x66: {  	_ =	shalt  }
0x67: {  	_ =	shalt  }
0x68: {  	_ =	shalt  }
0x69: {  	_ =	shalt  }
0x6a: {  	_ =	shalt  }
0x6b: {  	_ =	shalt  }
0x6c: {  	_ =	shalt  }
0x6d: {  	_ =	shalt  }
0x6e: {  	_ =	shalt  }
0x6f: {  	_ =	shalt  }
0x70: {  	_ =	shalt  }
0x71: {  	_ =	shalt  }
0x72: {  	_ =	shalt  }
0x73: {  	_ =	shalt  }
0x74: {  	_ =	shalt  }
0x75: {  	_ =	shalt  }
0x76: {  	_ =	shalt  }
0x77: {  	_ =	shalt  }
0x78: {  	_ =	shalt  }
0x79: {  	_ =	shalt  }
0x7a: {  	_ =	shalt  }
0x7b: {  	_ =	shalt  }
0x7c: {  	_ =	shalt  }
0x7d: {  	_ =	shalt  }
0x7e: {  	_ =	shalt  }
0x7f: {  	_ =	shalt  }
0x80: {  	_ =	shalt  }
0x81: {  	_ =	shalt  }
0x82: {  	_ =	shalt  }
0x83: {  	_ =	shalt  }
0x84: {  	_ =	shalt  }
0x85: {  	_ =	shalt  }
0x86: {  	_ =	shalt  }
0x87: {  	_ =	shalt  }
.Lfunc_end0:
.L_simem_size_0:
called_computation_lowered:
.L_overlay_start_0:
0x88: {  	s2 =	sld [smem:$0x3FD9]  }
0x89: {  	s3 =	sld [smem:$0x3FFE];
	_ =	sdelay $0x1  }
0x8a: {  	s1 =	srdreg.scid  }
0x8b: {  	s0 =	sand.u32 $0x1, s1  }
0x8c: {  	s17 =	sshll.u32 s0, $0xA;
	s2 =	sadd.s32 s3, s2  }
0x8d: {  	s2 =	sadd.s32 s2, s17  }
0x8e: {  	[smem:$0x3FC6] =	sst s2  }
0x8f: {  	_ = 	snop  }
0x90: {  	s2 =	sld [smem:$0x3FC8]  }
0x91: {  	s18 =	sld [smem:$0x3FD0];
	(tm) =	ssettm $0x1  }
0x92: {  	s4 =	sld [smem:$0x3FFB];
	_ =	sdelay $0x3  }
0x93: {  	_ =	strace s4  }
0x94: {  	s4 =	sld [smem:$0x3FFC];
	_ =	sdelay $0x3  }
0x95: {  	_ =	strace s4  }
0x96: {  	s4 =	sld [smem:$0x3FFD];
	_ =	sdelay $0x3  }
0x97: {  	_ =	strace s4  }
0x98: {  	_ =	strace $0x8FFFFFFF  }
0x99: {  	s19 =	sld [smem:$0x3FDB];
	_ =	sdelay $0x1  }
0x9a: {  	s5 =	simm.s32 $_scs_section_size  }
0x9b: {  	s6 =	simm.s32 $_size__tile_overlayer_lowered;
	s7 =	simm.s32 $_tile_overlayer_lowered  }
0x9c: {  	s22 =	simm.s32 $0x1BFF;
	s21 =	sshll.u32 s7, $0x1;
	s4 =	sadd.s32 s5, s19  }
0x9d: {  	s8 =	simm.s32 $0x0;
	s20 =	sshll.u32 s6, $0x1;
	s6 =	sadd.s32 s21, s4  }
0x9e: {  	[timem:s8], [sflag:s22] =	dma.local [hbm:s6], s20  }
0x9f: {  	_ =	swait.ge [sflag:s22], s20  }
0xa0: {  	s5 =	ssub.s32 $0x0, s20;
	[sflag:s22] =	ssyncset.done $0x0  }
0xa1: {  	[sflag:s22] =	ssyncadd.s32 s5;
	_ =	sdelay $0x1  }
0xa2: {  	s23 =	simm.s32 $0x1B8B  }
0xa3: {  	_ =	swait.ge [sflag:s23], $0x1  }
0xa4: {  	[sflag:s23] =	ssyncset.done $0x0  }
0xa5: {  	s25 =	simm.s32 $0x1B8E;
	s24 =	sld [smem:$0x3FFE];
	[sflag:s23] =	ssyncadd.s32 $0xFFFFFFFF  }
0xa6: {  	s26 =	simm.s32 $execute0_lowered;
	[smem:$0x3FD2] =	sst s25  }
0xa7: {  	s6 =	sshll.u32 s26, $0x1;
	_ =	strace $0x80000046;
	[dreg:$0x1] =	wrdreg $0xFFFFFFFF  }
0xa8: {  	s28 =	simm.s32 $_size_execute0_lowered;
	s4 =	sadd.s32 s4, s6;
	[dreg:$0x0] =	wrdreg $0x0  }
0xa9: {  	s6 =	sshll.u32 s28, $0x1;
	[dreg:$0x2] =	wrdreg s4  }
0xaa: {  	[dreg:$0x3] =	wrdreg s6  }
0xab: {  	[dreg:$0x4] =	wrdreg $0xC0  }
0xac: {  	_ =	task [dreg:s8], $0x5FFFF  }
0xad: {  	[dreg:$0x1] =	wrdreg $0xFFFFFFFF  }
0xae: {  	[dreg:$0x0] =	wrdreg $0x60  }
0xaf: {  	[dreg:$0x2] =	wrdreg s2  }
0xb0: {  	[dreg:$0x3] =	wrdreg s24  }
0xb1: {  	[dreg:$0x4] =	wrdreg s18  }
0xb2: {  	[dreg:$0x5] =	wrdreg $0x9C000  }
0xb3: {  	[dreg:$0x6] =	wrdreg $0x9  }
0xb4: {  	_ =	task.clear_ibuf [dreg:s8], $0x7FFFF;
	_ =	strace $0x90000046  }
0xb5: {  	s29 =	simm.s32 $0x9;
	_ =	strace $0x80000048  }
0xb6: {  	_ =	swait.ge [sflag:s29], $0x1  }
0xb7: {  	[sflag:s29] =	ssyncadd.s32 $0xFFFFFFFF  }
0xb8: {  	_ =	strace $0x90000048  }
0xb9: {  	_ =	sfence  }
0xba: {  	s30 =	sld [smem:$0x0];
	_ =	sdelay $0x2  }
0xbb: {  	s31 =	sshll.u32 s1, $0xD;
	s1 =	sshrl.u32 s1, $0x2  }
0xbc: {  	s3 =	sand.u32 $0x4000, s31;
	s1 =	sadd.s32 s1, s30  }
0xbd: {  	s0 =	sor.u32 s3, s0;
	s1 =	sshll.u32 s1, $0x11  }
0xbe: {  	s0 =	sor.u32 s1, s0  }
0xbf: {  	s0 =	sadd.s32 $0x8F2B, s0  }
0xc0: {  	[sflag:s0] =	ssyncadd.remote.s32 $0x1  }
0xc1: {  	_ =	sfence.sel $0xFFFF  }
0xc2: {  	[dreg:$0x0] =	wrdreg $0xFFFFFFFF;
	(pc) =	sbr.abs _section_cstart, $3  }
0xc3: {  	[dreg:$0x1] =	wrdreg $0xFFFFFFFF  }
0xc4: {  	_ =	task.clear_ibuf [dreg:s8], $0x2FFFF;
	_ =	strace $0x9FFFFFFF  }
0xc5: {  	(tm) =	ssettm $0x7FFFFFFF  }
tec
execute0_lowered:
.L_overlay_start_1:
0x0: {  	(tag) =	ssettag $0x1  }
0x1: {  	s1 =	rddreg [dreg:$0x0]  }
0x2: {  	s0 =	rddreg [dreg:$0x1]  }
0x3: {  	s3 =	rddreg [dreg:$0x2];
	s2 =	srdreg.scid  }
0x4: {  	s18 =	stileid.u32;
	s4 =	rddreg [dreg:$0x3]  }
0x5: {  	s6 =	simm.s32 $0x0;
	s15 =	simm.s32 $0x5;
	s16 =	simm.s32 $0x80  }
0x6: {  	s17 =	simm.s32 $0x1C00;
	s19 =	simm.s32 $0x1;
	s28 =	simm.s32 $0x4  }
0x7: {  	s30 =	simm.s32 $0x0;
	s2 =	sand.u32 $0x1, s2;
	s5 =	sshll.u32 s18, $0x1  }
0x8: {  	[smem:$0x7FF] =	sst s6;
	s9 =	smul.u32 $0x190000, s18;
	s23 =	sshll.u32 s18, $0xF  }
0x9: {  	s31 =	sshll.u32 s18, $0x6;
	s18 =	simm.s32 $0x5C00;
	s5 =	sor.u32 s2, s5  }
0xa: {  	_ =	strace $0x80000047;
	s7 =	ssub.s32 $0x2, s2;
	s2 =	smul.u32 $0xC8000, s2  }
0xb: {  	s6 =	sadd.s32 s23, s4;
	s20 =	sor.u32 $0x1C03, s31;
	s21 =	smul.u32 $0x380, s5  }
0xc: {  	s23 =	simm.s32 $0x2;
	s5 =	smul.u32 $0xC8000, s5;
	s22 =	sshrl.u32 s7, $0x1  }
0xd: {  	s10 =	ssub.s32 s7, s22;
	s7 =	sadd.s32 $0x4000, s6;
	s25 =	sadd.s32 s2, s9  }
0xe: {  	s0 =	sadd.s32 s21, s0;
	s24 =	sshrl.u32 s5, $0x3;
	s26 =	smax.u32 s10, $0x1  }
0xf: {  	s29 =	sadd.s32 $0xC000, s25;
	s13 =	sadd.s32 $0x8000, s25;
	s21 =	sshrl.u32 s6, $0x3  }
0x10: {  	s25 =	sshrl.u32 s7, $0x3;
	s0 =	sadd.s32 $0x400, s0;
	s8 =	sadd.s32 s3, s24  }
0x11: {  	[dreg:$0x6] =	wrdreg s26;
	s2 =	sshrl.u32 s29, $0x3;
	s24 =	sor.u32 $0x1C04, s31  }
0x12: {  	s26 =	simm.s32 $0x3;
	[dreg:$0x5] =	wrdreg s0;
	s10 =	sadd.s32 $0x800, s8  }
0x13: {  	s11 =	sadd.s32 $0x18000, s8;
	s12 =	sadd.s32 $0x18800, s8;
	s14 =	sadd.s32 s2, s3  }
.LBB2_1:
0x14: {  	s0 =	simm.s32 $0x0;
	s2 =	rddreg [dreg:$0x5]  }
0x15: {  	[tilespmem:s0], [sflag:$0x5] =	stream.linear.gather [hbm4b:s2+s0], $0x1900, $0x38;
	[tilespmem:$0x11C00] =	vst v63  }
0x16: {  	_ =	swait.ge [sflag:s15], $0x1900  }
0x17: {  	[sflag:s15] =	ssyncset.done $0x0  }
0x18: {  	[sflag:s15] =	ssyncadd.s32 $0xFFFFE700  }
0x19: {  	[tilespmem:s17], [sflag:$0x1] =	stream.indirect.gather [hbm4b:s1+s16], $0x80, s0, s16, $0xb8;
	[tilespmem:$0x11C00] =	vst v63  }
0x1a: {  	_ = 	snop  }
0x1b: {  	[tilespmem:s18], [sflag:$0x2] =	stream.indirect.gather [hbm4b:s1+s16], $0x80, s16, s16, $0xb8;
	[tilespmem:$0x11C00] =	vst v63  }
0x1c: {  	_ =	swait.ge [sflag:s19], $0x4000  }
0x1d: {  	[sflag:s19] =	ssyncset.done $0x0  }
0x1e: {  	[sflag:s19] =	ssyncadd.s32 $0xFFFFC000  }
0x1f: {  	[spmem:s6] =	stream.linear.scatter [tilespmem:s17], [sflag:$0x5], $0x4000, $0x38;
	[tilespmem:$0x11C00] =	vst v63  }
0x20: {  	_ =	swait.ge [sflag:s15], $0x4000  }
0x21: {  	[sflag:s15] =	ssyncset.done $0x0  }
0x22: {  	s4 =	simm.s32 $0x100;
	[sflag:s15] =	ssyncadd.s32 $0xFFFFC000  }
0x23: {  	[hbm:s8], [sflag:s20] =	dma.local [spmem:s21], $0x800  }
0x24: {  	[tilespmem:s17], [sflag:$0x1] =	stream.indirect.gather [hbm4b:s1+s16], $0x80, s4, s16, $0xb8;
	[tilespmem:$0x11C00] =	vst v63  }
0x25: {  	_ =	swait.ge [sflag:s23], $0x4000  }
0x26: {  	[sflag:s23] =	ssyncset.done $0x0  }
0x27: {  	[sflag:s23] =	ssyncadd.s32 $0xFFFFC000  }
0x28: {  	[spmem:s7] =	stream.linear.scatter [tilespmem:s18], [sflag:$0x5], $0x4000, $0x38;
	[tilespmem:$0x11C00] =	vst v63  }
0x29: {  	_ =	swait.ge [sflag:s15], $0x4000  }
0x2a: {  	[sflag:s15] =	ssyncset.done $0x0  }
0x2b: {  	s5 =	simm.s32 $0x180;
	[sflag:s15] =	ssyncadd.s32 $0xFFFFC000  }
0x2c: {  	[hbm:s10], [sflag:s24] =	dma.local [spmem:s25], $0x800  }
0x2d: {  	[tilespmem:s18], [sflag:$0x2] =	stream.indirect.gather [hbm4b:s1+s16], $0x80, s5, s16, $0xb8;
	[tilespmem:$0x11C00] =	vst v63  }
0x2e: {  	_ =	swait.ge [sflag:s19], $0x4000  }
0x2f: {  	[sflag:s19] =	ssyncset.done $0x0  }
0x30: {  	[sflag:s19] =	ssyncadd.s32 $0xFFFFC000  }
0x31: {  	_ =	swait.ge [sflag:s26], $0x800  }
0x32: {  	[sflag:s26] =	ssyncset.done $0x0  }
0x33: {  	[sflag:s26] =	ssyncadd.s32 $0xFFFFF800  }
0x34: {  	[spmem:s6] =	stream.linear.scatter [tilespmem:s17], [sflag:$0x5], $0x4000, $0x38;
	[tilespmem:$0x11C00] =	vst v63  }
0x35: {  	_ =	swait.ge [sflag:s15], $0x4000  }
0x36: {  	s9 =	sshrl.u32 s13, $0x3;
	[sflag:s15] =	ssyncset.done $0x0  }
0x37: {  	s22 =	simm.s32 $0x200;
	s0 =	sadd.s32 s3, s9;
	[sflag:s15] =	ssyncadd.s32 $0xFFFFC000  }
0x38: {  	[hbm:s0], [sflag:s20] =	dma.local [spmem:s21], $0x800  }
0x39: {  	[tilespmem:s17], [sflag:$0x1] =	stream.indirect.gather [hbm4b:s1+s16], $0x80, s22, s16, $0xb8;
	[tilespmem:$0x11C00] =	vst v63  }
0x3a: {  	_ =	swait.ge [sflag:s23], $0x4000  }
0x3b: {  	[sflag:s23] =	ssyncset.done $0x0  }
0x3c: {  	[sflag:s23] =	ssyncadd.s32 $0xFFFFC000  }
0x3d: {  	_ =	swait.ge [sflag:s28], $0x800  }
0x3e: {  	[sflag:s28] =	ssyncset.done $0x0  }
0x3f: {  	s31 =	simm.s32 $0x1000;
	[sflag:s28] =	ssyncadd.s32 $0xFFFFF800  }
0x40: {  	[spmem:s7] =	stream.linear.scatter [tilespmem:s18], [sflag:$0x5], $0x4000, $0x38;
	[tilespmem:$0x11C00] =	vst v63  }
0x41: {  	s29 =	simm.s32 $0x2000;
	s2 =	simm.s32 $0x300;
	_ =	swait.ge [sflag:s15], $0x4000  }
0x42: {  	s4 =	simm.s32 $0x400;
	s5 =	sadd.s32 $0x0, s14;
	[sflag:s15] =	ssyncset.done $0x0  }
0x43: {  	s0 =	sadd.s32 $0x8000, s13;
	s22 =	simm.s32 $0x280;
	[sflag:s15] =	ssyncadd.s32 $0xFFFFC000  }
.LBB2_2:
0x44: {  	[hbm:s5], [sflag:s24] =	dma.local [spmem:s25], $0x800  }
0x45: {  	s5 =	smov.u32 s31;
	s31 =	smov.u32 s29  }
0x46: {  	[tilespmem:s18], [sflag:$0x2] =	stream.indirect.gather [hbm4b:s1+s16], $0x80, s22, s16, $0xb8;
	[tilespmem:$0x11C00] =	vst v63  }
0x47: {  	p0 =	sne.s32 s29, $0x16000;
	s22 =	sadd.s32 $0xFFFFFF80, s4;
	_ =	swait.ge [sflag:s19], $0x4000  }
0x48: {  	s29 =	sadd.s32 $0x1000, s29;
	[sflag:s19] =	ssyncset.done $0x0  }
0x49: {  	[sflag:s19] =	ssyncadd.s32 $0xFFFFC000  }
0x4a: {  	_ =	swait.ge [sflag:s26], $0x800  }
0x4b: {  	[sflag:s26] =	ssyncset.done $0x0  }
0x4c: {  	[sflag:s26] =	ssyncadd.s32 $0xFFFFF800  }
0x4d: {  	[spmem:s6] =	stream.linear.scatter [tilespmem:s17], [sflag:$0x5], $0x4000, $0x38;
	[tilespmem:$0x11C00] =	vst v63  }
0x4e: {  	_ =	swait.ge [sflag:s15], $0x4000  }
0x4f: {  	s9 =	sshrl.u32 s0, $0x3;
	[sflag:s15] =	ssyncset.done $0x0  }
0x50: {  	s9 =	sadd.s32 s3, s9;
	[sflag:s15] =	ssyncadd.s32 $0xFFFFC000  }
0x51: {  	[hbm:s9], [sflag:s20] =	dma.local [spmem:s21], $0x800  }
0x52: {  	[tilespmem:s17], [sflag:$0x1] =	stream.indirect.gather [hbm4b:s1+s16], $0x80, s2, s16, $0xb8;
	[tilespmem:$0x11C00] =	vst v63  }
0x53: {  	s2 =	smov.u32 s4;
	_ =	swait.ge [sflag:s23], $0x4000  }
0x54: {  	[sflag:s23] =	ssyncset.done $0x0  }
0x55: {  	[sflag:s23] =	ssyncadd.s32 $0xFFFFC000  }
0x56: {  	_ =	swait.ge [sflag:s28], $0x800  }
0x57: {  	[sflag:s28] =	ssyncset.done $0x0  }
.Ltmp0:
0x58: {  	[sflag:s28] =	ssyncadd.s32 $0xFFFFF800;
	(pc) =	sbr.rel @p0 .LBB2_2-.Ltmp0, $4  }
0x59: {  	[spmem:s7] =	stream.linear.scatter [tilespmem:s18], [sflag:$0x5], $0x4000, $0x38;
	[tilespmem:$0x11C00] =	vst v63  }
0x5a: {  	_ =	swait.ge [sflag:s15], $0x4000  }
0x5b: {  	s0 =	sadd.s32 $0x8000, s0;
	[sflag:s15] =	ssyncset.done $0x0  }
0x5c: {  	s5 =	sadd.s32 s5, s14;
	s4 =	sadd.s32 $0x100, s4;
	[sflag:s15] =	ssyncadd.s32 $0xFFFFC000  }
0x5d: {  	[hbm:s5], [sflag:s24] =	dma.local [spmem:s25], $0x800  }
0x5e: {  	[tilespmem:s18], [sflag:$0x2] =	stream.indirect.gather [hbm4b:s1+s16], $0x80, s22, s16, $0xb8;
	[tilespmem:$0x11C00] =	vst v63  }
0x5f: {  	_ =	swait.ge [sflag:s19], $0x4000  }
0x60: {  	[sflag:s19] =	ssyncset.done $0x0  }
0x61: {  	[sflag:s19] =	ssyncadd.s32 $0xFFFFC000  }
0x62: {  	_ =	swait.ge [sflag:s26], $0x800  }
0x63: {  	[sflag:s26] =	ssyncset.done $0x0  }
0x64: {  	[sflag:s26] =	ssyncadd.s32 $0xFFFFF800  }
0x65: {  	[spmem:s6] =	stream.linear.scatter [tilespmem:s17], [sflag:$0x5], $0x4000, $0x38;
	[tilespmem:$0x11C00] =	vst v63  }
0x66: {  	_ =	swait.ge [sflag:s15], $0x4000  }
0x67: {  	s0 =	sshrl.u32 s0, $0x3;
	[sflag:s15] =	ssyncset.done $0x0  }
0x68: {  	s0 =	sadd.s32 s3, s0;
	[sflag:s15] =	ssyncadd.s32 $0xFFFFC000  }
0x69: {  	[hbm:s0], [sflag:s20] =	dma.local [spmem:s21], $0x800  }
0x6a: {  	[tilespmem:s17], [sflag:$0x1] =	stream.indirect.gather [hbm4b:s1+s16], $0x80, s2, s16, $0xb8;
	[tilespmem:$0x11C00] =	vst v63  }
0x6b: {  	_ =	swait.ge [sflag:s23], $0x4000  }
0x6c: {  	[sflag:s23] =	ssyncset.done $0x0  }
0x6d: {  	[sflag:s23] =	ssyncadd.s32 $0xFFFFC000  }
0x6e: {  	_ =	swait.ge [sflag:s28], $0x800  }
0x6f: {  	[sflag:s28] =	ssyncset.done $0x0  }
0x70: {  	[sflag:s28] =	ssyncadd.s32 $0xFFFFF800  }
0x71: {  	[spmem:s7] =	stream.linear.scatter [tilespmem:s18], [sflag:$0x5], $0x4000, $0x38;
	[tilespmem:$0x11C00] =	vst v63  }
0x72: {  	_ =	swait.ge [sflag:s15], $0x4000  }
0x73: {  	[sflag:s15] =	ssyncset.done $0x0  }
0x74: {  	s29 =	simm.s32 $0x1880;
	s22 =	sadd.s32 s31, s14;
	[sflag:s15] =	ssyncadd.s32 $0xFFFFC000  }
0x75: {  	[hbm:s22], [sflag:s24] =	dma.local [spmem:s25], $0x800  }
0x76: {  	[tilespmem:s18], [sflag:$0x2] =	stream.indirect.gather [hbm4b:s1+s16], $0x80, s29, s16, $0xb8;
	[tilespmem:$0x11C00] =	vst v63  }
0x77: {  	_ =	swait.ge [sflag:s19], $0x4000  }
0x78: {  	[sflag:s19] =	ssyncset.done $0x0  }
0x79: {  	[sflag:s19] =	ssyncadd.s32 $0xFFFFC000  }
0x7a: {  	_ =	swait.ge [sflag:s26], $0x800  }
0x7b: {  	[sflag:s26] =	ssyncset.done $0x0  }
0x7c: {  	[sflag:s26] =	ssyncadd.s32 $0xFFFFF800  }
0x7d: {  	[spmem:s6] =	stream.linear.scatter [tilespmem:s17], [sflag:$0x5], $0x4000, $0x38;
	[tilespmem:$0x11C00] =	vst v63  }
0x7e: {  	_ =	swait.ge [sflag:s15], $0x4000  }
0x7f: {  	[sflag:s15] =	ssyncset.done $0x0  }
0x80: {  	[sflag:s15] =	ssyncadd.s32 $0xFFFFC000  }
0x81: {  	[hbm:s11], [sflag:s20] =	dma.local [spmem:s21], $0x800  }
0x82: {  	_ =	swait.ge [sflag:s23], $0x4000  }
0x83: {  	[sflag:s23] =	ssyncset.done $0x0  }
0x84: {  	[sflag:s23] =	ssyncadd.s32 $0xFFFFC000  }
0x85: {  	_ =	swait.ge [sflag:s28], $0x800  }
0x86: {  	[sflag:s28] =	ssyncset.done $0x0  }
0x87: {  	[sflag:s28] =	ssyncadd.s32 $0xFFFFF800  }
0x88: {  	[spmem:s7] =	stream.linear.scatter [tilespmem:s18], [sflag:$0x5], $0x4000, $0x38;
	[tilespmem:$0x11C00] =	vst v63  }
0x89: {  	_ =	swait.ge [sflag:s15], $0x4000  }
0x8a: {  	[sflag:s15] =	ssyncset.done $0x0  }
0x8b: {  	[sflag:s15] =	ssyncadd.s32 $0xFFFFC000  }
0x8c: {  	[hbm:s12], [sflag:s24] =	dma.local [spmem:s25], $0x800  }
0x8d: {  	_ =	swait.ge [sflag:s26], $0x800  }
0x8e: {  	[sflag:s26] =	ssyncset.done $0x0  }
0x8f: {  	[sflag:s26] =	ssyncadd.s32 $0xFFFFF800  }
0x90: {  	_ =	swait.ge [sflag:s28], $0x800  }
0x91: {  	s30 =	sadd.s32 $0x1, s30;
	s31 =	rddreg [dreg:$0x6]  }
0x92: {  	p0 =	sne.s32 s30, s31  }
.Ltmp1:
0x93: {  	_ = 	snop;
	(pc) =	sbr.rel @p0 .LBB2_1-.Ltmp1, $3  }
0x94: {  	_ =	sdelay $0x1  }
0x95: {  	[sflag:s28] =	ssyncset.done $0x0  }
0x96: {  	[sflag:s28] =	ssyncadd.s32 $0xFFFFF800  }
0x97: {  	_ =	sfence.sel $0x180000  }
0x98: {  	[bflag:$0x0] =	sbarrier.arrive $0xFFFF  }
0x99: {  	_ =	strace $0x90000047  }
0x9a: {  	s0 =	stileid.u32;
	[bflag:$0x2] =	sbarrier.arrive $0xFFFF  }
0x9b: {  	p0 =	sne.s32 s0, $0x0;
	s0 =	rddreg [dreg:$0x4]  }
0x9c: {  	s0 =	sadd.s32 @!p0 $0x100000, s0  }
0x9d: {  	[sflag:s0] =	ssyncadd.tile.s32 @!p0 $0x1;
	_ =	shalt  }
.Lfunc_end2:
_tile_overlayer_lowered:
.L_overlay_start_2:
0x9e: {  	(tag) =	ssettag $0x2  }
0x9f: {  	s0 =	rddreg [dreg:$0x0];
	s2 =	stileid.u32  }
0xa0: {  	s1 =	rddreg [dreg:$0x1];
	p0 =	sne.s32 s2, $0x0  }
0xa1: {  	s3 =	rddreg [dreg:$0x2];
	[bflag:$0x3] =	sbarrier.arrive $0xFFFF;
	s2 =	simm.s32 @!p0 $0x1C05  }
0xa2: {  	[timem:s3], [sflag:s2] =	dma.local @!p0 [hbm:s0], s1  }
0xa3: {  	s0 =	simm.s32 @!p0 $0x5  }
0xa4: {  	_ =	swait.ge @!p0 [sflag:s0], s1  }
0xa5: {  	s1 =	ssub.s32 @!p0 $0x0, s1;
	[sflag:s0] =	ssyncset.done @!p0 $0x0  }
0xa6: {  	[sflag:s0] =	ssyncadd.s32 @!p0 s1  }
0xa7: {  	[bflag:$0x3] =	sbarrier.arrive $0xFFFF  }
0xa8: {  	_ =	shalt  }

</sc_bundles>
